<compile_context>
chip_gen: v7x
topology: tpu7x:2x2x1
jax: 0.10.2.dev20260603
libtpu: 0.0.44.dev20260713+nightly
codegen_flags: <defaults>
</compile_context>

<pallas_src>
import functools

import jax
import jax.numpy as jnp
from jax import lax
from jax.experimental import pallas as pl
from jax.experimental.pallas import tpu as pltpu
from jax.experimental.pallas import tpu_sc as plsc

E_LAYERS = 6
NUM_EXPERTS = 8
NUM_HEADS = 12
HEAD_DIM = 64
B = 128
D = NUM_HEADS * NUM_EXPERTS * HEAD_DIM
NC = 2
NS = 16
NW = NC * NS
ROWS_PER_W = (2 * B) // NW


_mesh = plsc.VectorSubcoreMesh(core_axis_name="c", subcore_axis_name="s")


@functools.partial(
    pl.kernel,
    mesh=_mesh,
    out_type=[
        jax.ShapeDtypeStruct((B, D), jnp.float32),
        jax.ShapeDtypeStruct((B, D), jnp.float32),
    ],
    scratch_types=[
        pltpu.VMEM((1,), jnp.int32),
        pltpu.VMEM((1, D), jnp.float32),
        pltpu.SemaphoreType.DMA,
    ],
)
def _gather_broadcast(pk_hbm, pv_hbm, idx_hbm, ek_hbm, ev_hbm,
                      idx_v, row_v, sem):
    wid = lax.axis_index("s") * NC + lax.axis_index("c")
    pltpu.sync_copy(idx_hbm, idx_v)

    def _bcast_rows(table_hbm, out_hbm, base):
        pltpu.async_copy(table_hbm.at[idx_v], row_v, sem).wait()
        copies = [
            pltpu.async_copy(row_v, out_hbm.at[pl.ds(base + r, 1)], sem)
            for r in range(ROWS_PER_W)
        ]
        for c in copies:
            c.wait()

    @pl.when(wid < NS)
    def _ek():
        _bcast_rows(pk_hbm, ek_hbm, wid * ROWS_PER_W)

    @pl.when(wid >= NS)
    def _ev():
        _bcast_rows(pv_hbm, ev_hbm, (wid - NS) * ROWS_PER_W)


def kernel(x_querry, l, x_block, e_pk, e_pv):
    pk2 = e_pk.reshape(E_LAYERS, D)
    pv2 = e_pv.reshape(E_LAYERS, D)
    idx = jnp.asarray(l, dtype=jnp.int32).reshape(1)
    ek2, ev2 = _gather_broadcast(pk2, pv2, idx)
    one = x_querry[0, 0] * jnp.float32(0.0) + jnp.float32(1.0)
    xb = x_block * one
    Ek = ek2.reshape(B, NUM_HEADS, NUM_EXPERTS, HEAD_DIM)
    Ev = ev2.reshape(B, NUM_HEADS, NUM_EXPERTS, HEAD_DIM)
    eps_decay = jnp.full((NUM_HEADS, NUM_EXPERTS), 2.0, dtype=jnp.float32)
    loss = jnp.float32(0.0)
    return (Ek, Ev, eps_decay, loss, xb)

# --- scband reference (transcript-rebuilt; emitter-appended) ---
"""Pipeline reference for scband-one-prompt-19490561589400 (READ-ONLY COPY).

The authoritative reference and input builder live on the scoring server;
editing this copy changes nothing except your own understanding.
"""

import jax, jax.numpy as jnp
import numpy as np

E_LAYERS = 6
NUM_EXPERTS = 8  # e_p_length // 2 = 16 // 2
NUM_HEADS = 12
HEAD_DIM = 64  # key_dim // num_heads = 768 // 12
B = 128


def setup_inputs(seed: int = 0) -> dict:
    key = jax.random.key(seed)
    k1, k2, k3, k4 = jax.random.split(key, 4)
    x_querry = jax.random.normal(k1, (B, 768), dtype=jnp.float32)
    x_block = jax.random.normal(k2, (B, 197, 768), dtype=jnp.float32)
    # Learned prompt parameters: e_pk_{layer}_{expert}_{head} each [1, head_dim],
    # packed as [n_layers, num_heads, num_experts, head_dim] matching the
    # concat order in forward (heads outer, experts inner). torch init.uniform_ -> U[0,1).
    e_pk = jax.random.uniform(k3, (E_LAYERS, NUM_HEADS, NUM_EXPERTS, HEAD_DIM), dtype=jnp.float32)
    e_pv = jax.random.uniform(k4, (E_LAYERS, NUM_HEADS, NUM_EXPERTS, HEAD_DIM), dtype=jnp.float32)
    return {"x_querry": x_querry, "l": 0, "x_block": x_block, "e_pk": e_pk, "e_pv": e_pv}


def reference(x_querry, l, x_block, e_pk, e_pv):
    # forward(x_querry, l, x_block, train=False, task_id=None, noise=False)
    # l in e_layers [0..5] -> e_valid branch.
    Bb = x_block.shape[0]
    pk = e_pk[l]  # [num_heads, num_experts, head_dim]  (gather over layer)
    pv = e_pv[l]
    # eps_decay: train=False and all freq==0 at init -> 2.0 everywhere
    eps_decay = 2.0 * jnp.ones((NUM_HEADS, NUM_EXPERTS), dtype=jnp.float32)
    Ek = jnp.broadcast_to(pk[None, :, :, :], (Bb,) + pk.shape)  # [B, H, E, d_h]
    Ev = jnp.broadcast_to(pv[None, :, :, :], (Bb,) + pv.shape)
    loss = jnp.float32(0.0)
    # p_return = [Ek, Ev, eps_decay]; returns (p_return, loss, x_block)
    return (Ek, Ev, eps_decay, loss, x_block)

if __name__ == "__main__":
    import jax
    _d = setup_inputs()
    print(jax.jit(kernel)(*tuple(_d.values())))

</pallas_src>

<mosaic_0001>
#map = affine_map<(d0, d1) -> (0, 0)>
#map1 = affine_map<(d0, d1) -> (0)>
module attributes {stable_mosaic.version = 14 : i64} {
  func.func @_gather_broadcast(%arg0: i32, %arg1: i32, %arg2: memref<6x6144xf32, #tpu.memory_space<hbm>>, %arg3: memref<6x6144xf32, #tpu.memory_space<hbm>>, %arg4: memref<1xi32, #tpu.memory_space<hbm>>, %arg5: memref<128x6144xf32, #tpu.memory_space<hbm>>, %arg6: memref<128x6144xf32, #tpu.memory_space<hbm>>, %arg7: memref<1xi32, #tpu.memory_space<vmem>>, %arg8: memref<1x6144xf32, #tpu.memory_space<vmem>>, %arg9: memref<!tpu.dma_semaphore, #tpu.memory_space<semaphore_mem>>) attributes {dimension_semantics = [#tpu.dimension_semantics<core_parallel>, #tpu.dimension_semantics<subcore_parallel>], iteration_bounds = array<i64: 2, 16>, scalar_prefetch = 0 : i64, scratch_operands = 3 : i64, tpu.core_type = #tpu.core_type<sc_vector_subcore>, window_params = [{transform_indices = #map}, {transform_indices = #map}, {transform_indices = #map1}, {transform_indices = #map}, {transform_indices = #map}]} {
    %mul3A = arith.constant 2 : i32
    %mul3A_0 = arith.muli %arg1, %mul3A : i32
    %add3A = arith.addi %mul3A_0, %arg0 : i32
    "tpu.region"() ({
      %run_scoped3A = tpu.sem_alloc : memref<!tpu.dma_semaphore, #tpu.memory_space<semaphore_mem>>
      tpu.enqueue_dma source(%arg4 : memref<1xi32, #tpu.memory_space<hbm>>) target(%arg7 : memref<1xi32, #tpu.memory_space<vmem>>) target_semaphore(%run_scoped3A : memref<!tpu.dma_semaphore, #tpu.memory_space<semaphore_mem>>)
      tpu.wait_dma2 semaphore(%run_scoped3A : memref<!tpu.dma_semaphore, #tpu.memory_space<semaphore_mem>>) src(%arg4 : memref<1xi32, #tpu.memory_space<hbm>>) dst(%arg7 : memref<1xi32, #tpu.memory_space<vmem>>)
      tpu.yield
    }) : () -> ()
    %lt3A = arith.constant 16 : i32
    %lt3A_1 = arith.cmpi slt, %add3A, %lt3A : i32
    %convert_element_type3A = arith.extui %lt3A_1 : i1 to i32
    %cond3A = arith.constant 0 : i32
    %cond3A_2 = arith.cmpi ne, %convert_element_type3A, %cond3A : i32
    scf.if %cond3A_2 {
      %mul3A_7 = arith.constant 8 : i32
      %mul3A_8 = arith.muli %add3A, %mul3A_7 : i32
      %dma_start3A = arith.constant 0 : i32
      %dma_start3A_9 = arith.constant 0 : i32
      %dma_start3A_10 = tpu.memref_slice %arg2[%dma_start3A, %dma_start3A_9] : memref<6x6144xf32, #tpu.memory_space<hbm>> -> memref<6x6144xf32, #tpu.memory_space<hbm>>
      tpu.enqueue_indirect_dma source(%dma_start3A_10 : memref<6x6144xf32, #tpu.memory_space<hbm>>) target(%arg8 : memref<1x6144xf32, #tpu.memory_space<vmem>>) offsets(%arg7 : memref<1xi32, #tpu.memory_space<vmem>>) semaphore(%arg9 : memref<!tpu.dma_semaphore, #tpu.memory_space<semaphore_mem>>)
      %dma_wait3A = arith.constant 0 : i32
      %dma_wait3A_11 = arith.constant 0 : i32
      %dma_wait3A_12 = tpu.memref_slice %arg2[%dma_wait3A, %dma_wait3A_11] : memref<6x6144xf32, #tpu.memory_space<hbm>> -> memref<6x6144xf32, #tpu.memory_space<hbm>>
      tpu.wait_indirect_dma semaphore(%arg9 : memref<!tpu.dma_semaphore, #tpu.memory_space<semaphore_mem>>) src(%dma_wait3A_12 : memref<6x6144xf32, #tpu.memory_space<hbm>>) dst(%arg8 : memref<1x6144xf32, #tpu.memory_space<vmem>>)
      %add3A_13 = arith.constant 0 : i32
      %add3A_14 = arith.addi %mul3A_8, %add3A_13 : i32
      %dma_start3A_15 = arith.constant 0 : i32
      %dma_start3A_16 = tpu.memref_slice %arg5[%add3A_14, %dma_start3A_15] : memref<128x6144xf32, #tpu.memory_space<hbm>> -> memref<1x6144xf32, #tpu.memory_space<hbm>>
      %dma_start3A_17 = arith.constant 0 : i32
      %dma_start3A_18 = tpu.memref_slice %arg5[%add3A_14, %dma_start3A_17] : memref<128x6144xf32, #tpu.memory_space<hbm>> -> memref<1x6144xf32, #tpu.memory_space<hbm>>
      tpu.enqueue_dma source(%arg8 : memref<1x6144xf32, #tpu.memory_space<vmem>>) target(%dma_start3A_18 : memref<1x6144xf32, #tpu.memory_space<hbm>>) target_semaphore(%arg9 : memref<!tpu.dma_semaphore, #tpu.memory_space<semaphore_mem>>)
      %add3A_19 = arith.constant 1 : i32
      %add3A_20 = arith.addi %mul3A_8, %add3A_19 : i32
      %dma_start3A_21 = arith.constant 0 : i32
      %dma_start3A_22 = tpu.memref_slice %arg5[%add3A_20, %dma_start3A_21] : memref<128x6144xf32, #tpu.memory_space<hbm>> -> memref<1x6144xf32, #tpu.memory_space<hbm>>
      %dma_start3A_23 = arith.constant 0 : i32
      %dma_start3A_24 = tpu.memref_slice %arg5[%add3A_20, %dma_start3A_23] : memref<128x6144xf32, #tpu.memory_space<hbm>> -> memref<1x6144xf32, #tpu.memory_space<hbm>>
      tpu.enqueue_dma source(%arg8 : memref<1x6144xf32, #tpu.memory_space<vmem>>) target(%dma_start3A_24 : memref<1x6144xf32, #tpu.memory_space<hbm>>) target_semaphore(%arg9 : memref<!tpu.dma_semaphore, #tpu.memory_space<semaphore_mem>>)
      %add3A_25 = arith.constant 2 : i32
      %add3A_26 = arith.addi %mul3A_8, %add3A_25 : i32
      %dma_start3A_27 = arith.constant 0 : i32
      %dma_start3A_28 = tpu.memref_slice %arg5[%add3A_26, %dma_start3A_27] : memref<128x6144xf32, #tpu.memory_space<hbm>> -> memref<1x6144xf32, #tpu.memory_space<hbm>>
      %dma_start3A_29 = arith.constant 0 : i32
      %dma_start3A_30 = tpu.memref_slice %arg5[%add3A_26, %dma_start3A_29] : memref<128x6144xf32, #tpu.memory_space<hbm>> -> memref<1x6144xf32, #tpu.memory_space<hbm>>
      tpu.enqueue_dma source(%arg8 : memref<1x6144xf32, #tpu.memory_space<vmem>>) target(%dma_start3A_30 : memref<1x6144xf32, #tpu.memory_space<hbm>>) target_semaphore(%arg9 : memref<!tpu.dma_semaphore, #tpu.memory_space<semaphore_mem>>)
      %add3A_31 = arith.constant 3 : i32
      %add3A_32 = arith.addi %mul3A_8, %add3A_31 : i32
      %dma_start3A_33 = arith.constant 0 : i32
      %dma_start3A_34 = tpu.memref_slice %arg5[%add3A_32, %dma_start3A_33] : memref<128x6144xf32, #tpu.memory_space<hbm>> -> memref<1x6144xf32, #tpu.memory_space<hbm>>
      %dma_start3A_35 = arith.constant 0 : i32
      %dma_start3A_36 = tpu.memref_slice %arg5[%add3A_32, %dma_start3A_35] : memref<128x6144xf32, #tpu.memory_space<hbm>> -> memref<1x6144xf32, #tpu.memory_space<hbm>>
      tpu.enqueue_dma source(%arg8 : memref<1x6144xf32, #tpu.memory_space<vmem>>) target(%dma_start3A_36 : memref<1x6144xf32, #tpu.memory_space<hbm>>) target_semaphore(%arg9 : memref<!tpu.dma_semaphore, #tpu.memory_space<semaphore_mem>>)
      %add3A_37 = arith.constant 4 : i32
      %add3A_38 = arith.addi %mul3A_8, %add3A_37 : i32
      %dma_start3A_39 = arith.constant 0 : i32
      %dma_start3A_40 = tpu.memref_slice %arg5[%add3A_38, %dma_start3A_39] : memref<128x6144xf32, #tpu.memory_space<hbm>> -> memref<1x6144xf32, #tpu.memory_space<hbm>>
      %dma_start3A_41 = arith.constant 0 : i32
      %dma_start3A_42 = tpu.memref_slice %arg5[%add3A_38, %dma_start3A_41] : memref<128x6144xf32, #tpu.memory_space<hbm>> -> memref<1x6144xf32, #tpu.memory_space<hbm>>
      tpu.enqueue_dma source(%arg8 : memref<1x6144xf32, #tpu.memory_space<vmem>>) target(%dma_start3A_42 : memref<1x6144xf32, #tpu.memory_space<hbm>>) target_semaphore(%arg9 : memref<!tpu.dma_semaphore, #tpu.memory_space<semaphore_mem>>)
      %add3A_43 = arith.constant 5 : i32
      %add3A_44 = arith.addi %mul3A_8, %add3A_43 : i32
      %dma_start3A_45 = arith.constant 0 : i32
      %dma_start3A_46 = tpu.memref_slice %arg5[%add3A_44, %dma_start3A_45] : memref<128x6144xf32, #tpu.memory_space<hbm>> -> memref<1x6144xf32, #tpu.memory_space<hbm>>
      %dma_start3A_47 = arith.constant 0 : i32
      %dma_start3A_48 = tpu.memref_slice %arg5[%add3A_44, %dma_start3A_47] : memref<128x6144xf32, #tpu.memory_space<hbm>> -> memref<1x6144xf32, #tpu.memory_space<hbm>>
      tpu.enqueue_dma source(%arg8 : memref<1x6144xf32, #tpu.memory_space<vmem>>) target(%dma_start3A_48 : memref<1x6144xf32, #tpu.memory_space<hbm>>) target_semaphore(%arg9 : memref<!tpu.dma_semaphore, #tpu.memory_space<semaphore_mem>>)
      %add3A_49 = arith.constant 6 : i32
      %add3A_50 = arith.addi %mul3A_8, %add3A_49 : i32
      %dma_start3A_51 = arith.constant 0 : i32
      %dma_start3A_52 = tpu.memref_slice %arg5[%add3A_50, %dma_start3A_51] : memref<128x6144xf32, #tpu.memory_space<hbm>> -> memref<1x6144xf32, #tpu.memory_space<hbm>>
      %dma_start3A_53 = arith.constant 0 : i32
      %dma_start3A_54 = tpu.memref_slice %arg5[%add3A_50, %dma_start3A_53] : memref<128x6144xf32, #tpu.memory_space<hbm>> -> memref<1x6144xf32, #tpu.memory_space<hbm>>
      tpu.enqueue_dma source(%arg8 : memref<1x6144xf32, #tpu.memory_space<vmem>>) target(%dma_start3A_54 : memref<1x6144xf32, #tpu.memory_space<hbm>>) target_semaphore(%arg9 : memref<!tpu.dma_semaphore, #tpu.memory_space<semaphore_mem>>)
      %add3A_55 = arith.constant 7 : i32
      %add3A_56 = arith.addi %mul3A_8, %add3A_55 : i32
      %dma_start3A_57 = arith.constant 0 : i32
      %dma_start3A_58 = tpu.memref_slice %arg5[%add3A_56, %dma_start3A_57] : memref<128x6144xf32, #tpu.memory_space<hbm>> -> memref<1x6144xf32, #tpu.memory_space<hbm>>
      %dma_start3A_59 = arith.constant 0 : i32
      %dma_start3A_60 = tpu.memref_slice %arg5[%add3A_56, %dma_start3A_59] : memref<128x6144xf32, #tpu.memory_space<hbm>> -> memref<1x6144xf32, #tpu.memory_space<hbm>>
      tpu.enqueue_dma source(%arg8 : memref<1x6144xf32, #tpu.memory_space<vmem>>) target(%dma_start3A_60 : memref<1x6144xf32, #tpu.memory_space<hbm>>) target_semaphore(%arg9 : memref<!tpu.dma_semaphore, #tpu.memory_space<semaphore_mem>>)
      %dma_wait3A_61 = arith.constant 0 : i32
      %dma_wait3A_62 = tpu.memref_slice %arg5[%add3A_14, %dma_wait3A_61] : memref<128x6144xf32, #tpu.memory_space<hbm>> -> memref<1x6144xf32, #tpu.memory_space<hbm>>
      %dma_wait3A_63 = arith.constant 0 : i32
      %dma_wait3A_64 = tpu.memref_slice %arg5[%add3A_14, %dma_wait3A_63] : memref<128x6144xf32, #tpu.memory_space<hbm>> -> memref<1x6144xf32, #tpu.memory_space<hbm>>
      tpu.wait_dma2 semaphore(%arg9 : memref<!tpu.dma_semaphore, #tpu.memory_space<semaphore_mem>>) src(%arg8 : memref<1x6144xf32, #tpu.memory_space<vmem>>) dst(%dma_wait3A_64 : memref<1x6144xf32, #tpu.memory_space<hbm>>)
      %dma_wait3A_65 = arith.constant 0 : i32
      %dma_wait3A_66 = tpu.memref_slice %arg5[%add3A_20, %dma_wait3A_65] : memref<128x6144xf32, #tpu.memory_space<hbm>> -> memref<1x6144xf32, #tpu.memory_space<hbm>>
      %dma_wait3A_67 = arith.constant 0 : i32
      %dma_wait3A_68 = tpu.memref_slice %arg5[%add3A_20, %dma_wait3A_67] : memref<128x6144xf32, #tpu.memory_space<hbm>> -> memref<1x6144xf32, #tpu.memory_space<hbm>>
      tpu.wait_dma2 semaphore(%arg9 : memref<!tpu.dma_semaphore, #tpu.memory_space<semaphore_mem>>) src(%arg8 : memref<1x6144xf32, #tpu.memory_space<vmem>>) dst(%dma_wait3A_68 : memref<1x6144xf32, #tpu.memory_space<hbm>>)
      %dma_wait3A_69 = arith.constant 0 : i32
      %dma_wait3A_70 = tpu.memref_slice %arg5[%add3A_26, %dma_wait3A_69] : memref<128x6144xf32, #tpu.memory_space<hbm>> -> memref<1x6144xf32, #tpu.memory_space<hbm>>
      %dma_wait3A_71 = arith.constant 0 : i32
      %dma_wait3A_72 = tpu.memref_slice %arg5[%add3A_26, %dma_wait3A_71] : memref<128x6144xf32, #tpu.memory_space<hbm>> -> memref<1x6144xf32, #tpu.memory_space<hbm>>
      tpu.wait_dma2 semaphore(%arg9 : memref<!tpu.dma_semaphore, #tpu.memory_space<semaphore_mem>>) src(%arg8 : memref<1x6144xf32, #tpu.memory_space<vmem>>) dst(%dma_wait3A_72 : memref<1x6144xf32, #tpu.memory_space<hbm>>)
      %dma_wait3A_73 = arith.constant 0 : i32
      %dma_wait3A_74 = tpu.memref_slice %arg5[%add3A_32, %dma_wait3A_73] : memref<128x6144xf32, #tpu.memory_space<hbm>> -> memref<1x6144xf32, #tpu.memory_space<hbm>>
      %dma_wait3A_75 = arith.constant 0 : i32
      %dma_wait3A_76 = tpu.memref_slice %arg5[%add3A_32, %dma_wait3A_75] : memref<128x6144xf32, #tpu.memory_space<hbm>> -> memref<1x6144xf32, #tpu.memory_space<hbm>>
      tpu.wait_dma2 semaphore(%arg9 : memref<!tpu.dma_semaphore, #tpu.memory_space<semaphore_mem>>) src(%arg8 : memref<1x6144xf32, #tpu.memory_space<vmem>>) dst(%dma_wait3A_76 : memref<1x6144xf32, #tpu.memory_space<hbm>>)
      %dma_wait3A_77 = arith.constant 0 : i32
      %dma_wait3A_78 = tpu.memref_slice %arg5[%add3A_38, %dma_wait3A_77] : memref<128x6144xf32, #tpu.memory_space<hbm>> -> memref<1x6144xf32, #tpu.memory_space<hbm>>
      %dma_wait3A_79 = arith.constant 0 : i32
      %dma_wait3A_80 = tpu.memref_slice %arg5[%add3A_38, %dma_wait3A_79] : memref<128x6144xf32, #tpu.memory_space<hbm>> -> memref<1x6144xf32, #tpu.memory_space<hbm>>
      tpu.wait_dma2 semaphore(%arg9 : memref<!tpu.dma_semaphore, #tpu.memory_space<semaphore_mem>>) src(%arg8 : memref<1x6144xf32, #tpu.memory_space<vmem>>) dst(%dma_wait3A_80 : memref<1x6144xf32, #tpu.memory_space<hbm>>)
      %dma_wait3A_81 = arith.constant 0 : i32
      %dma_wait3A_82 = tpu.memref_slice %arg5[%add3A_44, %dma_wait3A_81] : memref<128x6144xf32, #tpu.memory_space<hbm>> -> memref<1x6144xf32, #tpu.memory_space<hbm>>
      %dma_wait3A_83 = arith.constant 0 : i32
      %dma_wait3A_84 = tpu.memref_slice %arg5[%add3A_44, %dma_wait3A_83] : memref<128x6144xf32, #tpu.memory_space<hbm>> -> memref<1x6144xf32, #tpu.memory_space<hbm>>
      tpu.wait_dma2 semaphore(%arg9 : memref<!tpu.dma_semaphore, #tpu.memory_space<semaphore_mem>>) src(%arg8 : memref<1x6144xf32, #tpu.memory_space<vmem>>) dst(%dma_wait3A_84 : memref<1x6144xf32, #tpu.memory_space<hbm>>)
      %dma_wait3A_85 = arith.constant 0 : i32
      %dma_wait3A_86 = tpu.memref_slice %arg5[%add3A_50, %dma_wait3A_85] : memref<128x6144xf32, #tpu.memory_space<hbm>> -> memref<1x6144xf32, #tpu.memory_space<hbm>>
      %dma_wait3A_87 = arith.constant 0 : i32
      %dma_wait3A_88 = tpu.memref_slice %arg5[%add3A_50, %dma_wait3A_87] : memref<128x6144xf32, #tpu.memory_space<hbm>> -> memref<1x6144xf32, #tpu.memory_space<hbm>>
      tpu.wait_dma2 semaphore(%arg9 : memref<!tpu.dma_semaphore, #tpu.memory_space<semaphore_mem>>) src(%arg8 : memref<1x6144xf32, #tpu.memory_space<vmem>>) dst(%dma_wait3A_88 : memref<1x6144xf32, #tpu.memory_space<hbm>>)
      %dma_wait3A_89 = arith.constant 0 : i32
      %dma_wait3A_90 = tpu.memref_slice %arg5[%add3A_56, %dma_wait3A_89] : memref<128x6144xf32, #tpu.memory_space<hbm>> -> memref<1x6144xf32, #tpu.memory_space<hbm>>
      %dma_wait3A_91 = arith.constant 0 : i32
      %dma_wait3A_92 = tpu.memref_slice %arg5[%add3A_56, %dma_wait3A_91] : memref<128x6144xf32, #tpu.memory_space<hbm>> -> memref<1x6144xf32, #tpu.memory_space<hbm>>
      tpu.wait_dma2 semaphore(%arg9 : memref<!tpu.dma_semaphore, #tpu.memory_space<semaphore_mem>>) src(%arg8 : memref<1x6144xf32, #tpu.memory_space<vmem>>) dst(%dma_wait3A_92 : memref<1x6144xf32, #tpu.memory_space<hbm>>)
    } else {
    }
    %ge3A = arith.constant 16 : i32
    %ge3A_3 = arith.cmpi sge, %add3A, %ge3A : i32
    %convert_element_type3A_4 = arith.extui %ge3A_3 : i1 to i32
    %cond3A_5 = arith.constant 0 : i32
    %cond3A_6 = arith.cmpi ne, %convert_element_type3A_4, %cond3A_5 : i32
    scf.if %cond3A_6 {
      %sub3A = arith.constant 16 : i32
      %sub3A_7 = arith.subi %add3A, %sub3A : i32
      %mul3A_8 = arith.constant 8 : i32
      %mul3A_9 = arith.muli %sub3A_7, %mul3A_8 : i32
      %dma_start3A = arith.constant 0 : i32
      %dma_start3A_10 = arith.constant 0 : i32
      %dma_start3A_11 = tpu.memref_slice %arg3[%dma_start3A, %dma_start3A_10] : memref<6x6144xf32, #tpu.memory_space<hbm>> -> memref<6x6144xf32, #tpu.memory_space<hbm>>
      tpu.enqueue_indirect_dma source(%dma_start3A_11 : memref<6x6144xf32, #tpu.memory_space<hbm>>) target(%arg8 : memref<1x6144xf32, #tpu.memory_space<vmem>>) offsets(%arg7 : memref<1xi32, #tpu.memory_space<vmem>>) semaphore(%arg9 : memref<!tpu.dma_semaphore, #tpu.memory_space<semaphore_mem>>)
      %dma_wait3A = arith.constant 0 : i32
      %dma_wait3A_12 = arith.constant 0 : i32
      %dma_wait3A_13 = tpu.memref_slice %arg3[%dma_wait3A, %dma_wait3A_12] : memref<6x6144xf32, #tpu.memory_space<hbm>> -> memref<6x6144xf32, #tpu.memory_space<hbm>>
      tpu.wait_indirect_dma semaphore(%arg9 : memref<!tpu.dma_semaphore, #tpu.memory_space<semaphore_mem>>) src(%dma_wait3A_13 : memref<6x6144xf32, #tpu.memory_space<hbm>>) dst(%arg8 : memref<1x6144xf32, #tpu.memory_space<vmem>>)
      %add3A_14 = arith.constant 0 : i32
      %add3A_15 = arith.addi %mul3A_9, %add3A_14 : i32
      %dma_start3A_16 = arith.constant 0 : i32
      %dma_start3A_17 = tpu.memref_slice %arg6[%add3A_15, %dma_start3A_16] : memref<128x6144xf32, #tpu.memory_space<hbm>> -> memref<1x6144xf32, #tpu.memory_space<hbm>>
      %dma_start3A_18 = arith.constant 0 : i32
      %dma_start3A_19 = tpu.memref_slice %arg6[%add3A_15, %dma_start3A_18] : memref<128x6144xf32, #tpu.memory_space<hbm>> -> memref<1x6144xf32, #tpu.memory_space<hbm>>
      tpu.enqueue_dma source(%arg8 : memref<1x6144xf32, #tpu.memory_space<vmem>>) target(%dma_start3A_19 : memref<1x6144xf32, #tpu.memory_space<hbm>>) target_semaphore(%arg9 : memref<!tpu.dma_semaphore, #tpu.memory_space<semaphore_mem>>)
      %add3A_20 = arith.constant 1 : i32
      %add3A_21 = arith.addi %mul3A_9, %add3A_20 : i32
      %dma_start3A_22 = arith.constant 0 : i32
      %dma_start3A_23 = tpu.memref_slice %arg6[%add3A_21, %dma_start3A_22] : memref<128x6144xf32, #tpu.memory_space<hbm>> -> memref<1x6144xf32, #tpu.memory_space<hbm>>
      %dma_start3A_24 = arith.constant 0 : i32
      %dma_start3A_25 = tpu.memref_slice %arg6[%add3A_21, %dma_start3A_24] : memref<128x6144xf32, #tpu.memory_space<hbm>> -> memref<1x6144xf32, #tpu.memory_space<hbm>>
      tpu.enqueue_dma source(%arg8 : memref<1x6144xf32, #tpu.memory_space<vmem>>) target(%dma_start3A_25 : memref<1x6144xf32, #tpu.memory_space<hbm>>) target_semaphore(%arg9 : memref<!tpu.dma_semaphore, #tpu.memory_space<semaphore_mem>>)
      %add3A_26 = arith.constant 2 : i32
      %add3A_27 = arith.addi %mul3A_9, %add3A_26 : i32
      %dma_start3A_28 = arith.constant 0 : i32
      %dma_start3A_29 = tpu.memref_slice %arg6[%add3A_27, %dma_start3A_28] : memref<128x6144xf32, #tpu.memory_space<hbm>> -> memref<1x6144xf32, #tpu.memory_space<hbm>>
      %dma_start3A_30 = arith.constant 0 : i32
      %dma_start3A_31 = tpu.memref_slice %arg6[%add3A_27, %dma_start3A_30] : memref<128x6144xf32, #tpu.memory_space<hbm>> -> memref<1x6144xf32, #tpu.memory_space<hbm>>
      tpu.enqueue_dma source(%arg8 : memref<1x6144xf32, #tpu.memory_space<vmem>>) target(%dma_start3A_31 : memref<1x6144xf32, #tpu.memory_space<hbm>>) target_semaphore(%arg9 : memref<!tpu.dma_semaphore, #tpu.memory_space<semaphore_mem>>)
      %add3A_32 = arith.constant 3 : i32
      %add3A_33 = arith.addi %mul3A_9, %add3A_32 : i32
      %dma_start3A_34 = arith.constant 0 : i32
      %dma_start3A_35 = tpu.memref_slice %arg6[%add3A_33, %dma_start3A_34] : memref<128x6144xf32, #tpu.memory_space<hbm>> -> memref<1x6144xf32, #tpu.memory_space<hbm>>
      %dma_start3A_36 = arith.constant 0 : i32
      %dma_start3A_37 = tpu.memref_slice %arg6[%add3A_33, %dma_start3A_36] : memref<128x6144xf32, #tpu.memory_space<hbm>> -> memref<1x6144xf32, #tpu.memory_space<hbm>>
      tpu.enqueue_dma source(%arg8 : memref<1x6144xf32, #tpu.memory_space<vmem>>) target(%dma_start3A_37 : memref<1x6144xf32, #tpu.memory_space<hbm>>) target_semaphore(%arg9 : memref<!tpu.dma_semaphore, #tpu.memory_space<semaphore_mem>>)
      %add3A_38 = arith.constant 4 : i32
      %add3A_39 = arith.addi %mul3A_9, %add3A_38 : i32
      %dma_start3A_40 = arith.constant 0 : i32
      %dma_start3A_41 = tpu.memref_slice %arg6[%add3A_39, %dma_start3A_40] : memref<128x6144xf32, #tpu.memory_space<hbm>> -> memref<1x6144xf32, #tpu.memory_space<hbm>>
      %dma_start3A_42 = arith.constant 0 : i32
      %dma_start3A_43 = tpu.memref_slice %arg6[%add3A_39, %dma_start3A_42] : memref<128x6144xf32, #tpu.memory_space<hbm>> -> memref<1x6144xf32, #tpu.memory_space<hbm>>
      tpu.enqueue_dma source(%arg8 : memref<1x6144xf32, #tpu.memory_space<vmem>>) target(%dma_start3A_43 : memref<1x6144xf32, #tpu.memory_space<hbm>>) target_semaphore(%arg9 : memref<!tpu.dma_semaphore, #tpu.memory_space<semaphore_mem>>)
      %add3A_44 = arith.constant 5 : i32
      %add3A_45 = arith.addi %mul3A_9, %add3A_44 : i32
      %dma_start3A_46 = arith.constant 0 : i32
      %dma_start3A_47 = tpu.memref_slice %arg6[%add3A_45, %dma_start3A_46] : memref<128x6144xf32, #tpu.memory_space<hbm>> -> memref<1x6144xf32, #tpu.memory_space<hbm>>
      %dma_start3A_48 = arith.constant 0 : i32
      %dma_start3A_49 = tpu.memref_slice %arg6[%add3A_45, %dma_start3A_48] : memref<128x6144xf32, #tpu.memory_space<hbm>> -> memref<1x6144xf32, #tpu.memory_space<hbm>>
      tpu.enqueue_dma source(%arg8 : memref<1x6144xf32, #tpu.memory_space<vmem>>) target(%dma_start3A_49 : memref<1x6144xf32, #tpu.memory_space<hbm>>) target_semaphore(%arg9 : memref<!tpu.dma_semaphore, #tpu.memory_space<semaphore_mem>>)
      %add3A_50 = arith.constant 6 : i32
      %add3A_51 = arith.addi %mul3A_9, %add3A_50 : i32
      %dma_start3A_52 = arith.constant 0 : i32
      %dma_start3A_53 = tpu.memref_slice %arg6[%add3A_51, %dma_start3A_52] : memref<128x6144xf32, #tpu.memory_space<hbm>> -> memref<1x6144xf32, #tpu.memory_space<hbm>>
      %dma_start3A_54 = arith.constant 0 : i32
      %dma_start3A_55 = tpu.memref_slice %arg6[%add3A_51, %dma_start3A_54] : memref<128x6144xf32, #tpu.memory_space<hbm>> -> memref<1x6144xf32, #tpu.memory_space<hbm>>
      tpu.enqueue_dma source(%arg8 : memref<1x6144xf32, #tpu.memory_space<vmem>>) target(%dma_start3A_55 : memref<1x6144xf32, #tpu.memory_space<hbm>>) target_semaphore(%arg9 : memref<!tpu.dma_semaphore, #tpu.memory_space<semaphore_mem>>)
      %add3A_56 = arith.constant 7 : i32
      %add3A_57 = arith.addi %mul3A_9, %add3A_56 : i32
      %dma_start3A_58 = arith.constant 0 : i32
      %dma_start3A_59 = tpu.memref_slice %arg6[%add3A_57, %dma_start3A_58] : memref<128x6144xf32, #tpu.memory_space<hbm>> -> memref<1x6144xf32, #tpu.memory_space<hbm>>
      %dma_start3A_60 = arith.constant 0 : i32
      %dma_start3A_61 = tpu.memref_slice %arg6[%add3A_57, %dma_start3A_60] : memref<128x6144xf32, #tpu.memory_space<hbm>> -> memref<1x6144xf32, #tpu.memory_space<hbm>>
      tpu.enqueue_dma source(%arg8 : memref<1x6144xf32, #tpu.memory_space<vmem>>) target(%dma_start3A_61 : memref<1x6144xf32, #tpu.memory_space<hbm>>) target_semaphore(%arg9 : memref<!tpu.dma_semaphore, #tpu.memory_space<semaphore_mem>>)
      %dma_wait3A_62 = arith.constant 0 : i32
      %dma_wait3A_63 = tpu.memref_slice %arg6[%add3A_15, %dma_wait3A_62] : memref<128x6144xf32, #tpu.memory_space<hbm>> -> memref<1x6144xf32, #tpu.memory_space<hbm>>
      %dma_wait3A_64 = arith.constant 0 : i32
      %dma_wait3A_65 = tpu.memref_slice %arg6[%add3A_15, %dma_wait3A_64] : memref<128x6144xf32, #tpu.memory_space<hbm>> -> memref<1x6144xf32, #tpu.memory_space<hbm>>
      tpu.wait_dma2 semaphore(%arg9 : memref<!tpu.dma_semaphore, #tpu.memory_space<semaphore_mem>>) src(%arg8 : memref<1x6144xf32, #tpu.memory_space<vmem>>) dst(%dma_wait3A_65 : memref<1x6144xf32, #tpu.memory_space<hbm>>)
      %dma_wait3A_66 = arith.constant 0 : i32
      %dma_wait3A_67 = tpu.memref_slice %arg6[%add3A_21, %dma_wait3A_66] : memref<128x6144xf32, #tpu.memory_space<hbm>> -> memref<1x6144xf32, #tpu.memory_space<hbm>>
      %dma_wait3A_68 = arith.constant 0 : i32
      %dma_wait3A_69 = tpu.memref_slice %arg6[%add3A_21, %dma_wait3A_68] : memref<128x6144xf32, #tpu.memory_space<hbm>> -> memref<1x6144xf32, #tpu.memory_space<hbm>>
      tpu.wait_dma2 semaphore(%arg9 : memref<!tpu.dma_semaphore, #tpu.memory_space<semaphore_mem>>) src(%arg8 : memref<1x6144xf32, #tpu.memory_space<vmem>>) dst(%dma_wait3A_69 : memref<1x6144xf32, #tpu.memory_space<hbm>>)
      %dma_wait3A_70 = arith.constant 0 : i32
      %dma_wait3A_71 = tpu.memref_slice %arg6[%add3A_27, %dma_wait3A_70] : memref<128x6144xf32, #tpu.memory_space<hbm>> -> memref<1x6144xf32, #tpu.memory_space<hbm>>
      %dma_wait3A_72 = arith.constant 0 : i32
      %dma_wait3A_73 = tpu.memref_slice %arg6[%add3A_27, %dma_wait3A_72] : memref<128x6144xf32, #tpu.memory_space<hbm>> -> memref<1x6144xf32, #tpu.memory_space<hbm>>
      tpu.wait_dma2 semaphore(%arg9 : memref<!tpu.dma_semaphore, #tpu.memory_space<semaphore_mem>>) src(%arg8 : memref<1x6144xf32, #tpu.memory_space<vmem>>) dst(%dma_wait3A_73 : memref<1x6144xf32, #tpu.memory_space<hbm>>)
      %dma_wait3A_74 = arith.constant 0 : i32
      %dma_wait3A_75 = tpu.memref_slice %arg6[%add3A_33, %dma_wait3A_74] : memref<128x6144xf32, #tpu.memory_space<hbm>> -> memref<1x6144xf32, #tpu.memory_space<hbm>>
      %dma_wait3A_76 = arith.constant 0 : i32
      %dma_wait3A_77 = tpu.memref_slice %arg6[%add3A_33, %dma_wait3A_76] : memref<128x6144xf32, #tpu.memory_space<hbm>> -> memref<1x6144xf32, #tpu.memory_space<hbm>>
      tpu.wait_dma2 semaphore(%arg9 : memref<!tpu.dma_semaphore, #tpu.memory_space<semaphore_mem>>) src(%arg8 : memref<1x6144xf32, #tpu.memory_space<vmem>>) dst(%dma_wait3A_77 : memref<1x6144xf32, #tpu.memory_space<hbm>>)
      %dma_wait3A_78 = arith.constant 0 : i32
      %dma_wait3A_79 = tpu.memref_slice %arg6[%add3A_39, %dma_wait3A_78] : memref<128x6144xf32, #tpu.memory_space<hbm>> -> memref<1x6144xf32, #tpu.memory_space<hbm>>
      %dma_wait3A_80 = arith.constant 0 : i32
      %dma_wait3A_81 = tpu.memref_slice %arg6[%add3A_39, %dma_wait3A_80] : memref<128x6144xf32, #tpu.memory_space<hbm>> -> memref<1x6144xf32, #tpu.memory_space<hbm>>
      tpu.wait_dma2 semaphore(%arg9 : memref<!tpu.dma_semaphore, #tpu.memory_space<semaphore_mem>>) src(%arg8 : memref<1x6144xf32, #tpu.memory_space<vmem>>) dst(%dma_wait3A_81 : memref<1x6144xf32, #tpu.memory_space<hbm>>)
      %dma_wait3A_82 = arith.constant 0 : i32
      %dma_wait3A_83 = tpu.memref_slice %arg6[%add3A_45, %dma_wait3A_82] : memref<128x6144xf32, #tpu.memory_space<hbm>> -> memref<1x6144xf32, #tpu.memory_space<hbm>>
      %dma_wait3A_84 = arith.constant 0 : i32
      %dma_wait3A_85 = tpu.memref_slice %arg6[%add3A_45, %dma_wait3A_84] : memref<128x6144xf32, #tpu.memory_space<hbm>> -> memref<1x6144xf32, #tpu.memory_space<hbm>>
      tpu.wait_dma2 semaphore(%arg9 : memref<!tpu.dma_semaphore, #tpu.memory_space<semaphore_mem>>) src(%arg8 : memref<1x6144xf32, #tpu.memory_space<vmem>>) dst(%dma_wait3A_85 : memref<1x6144xf32, #tpu.memory_space<hbm>>)
      %dma_wait3A_86 = arith.constant 0 : i32
      %dma_wait3A_87 = tpu.memref_slice %arg6[%add3A_51, %dma_wait3A_86] : memref<128x6144xf32, #tpu.memory_space<hbm>> -> memref<1x6144xf32, #tpu.memory_space<hbm>>
      %dma_wait3A_88 = arith.constant 0 : i32
      %dma_wait3A_89 = tpu.memref_slice %arg6[%add3A_51, %dma_wait3A_88] : memref<128x6144xf32, #tpu.memory_space<hbm>> -> memref<1x6144xf32, #tpu.memory_space<hbm>>
      tpu.wait_dma2 semaphore(%arg9 : memref<!tpu.dma_semaphore, #tpu.memory_space<semaphore_mem>>) src(%arg8 : memref<1x6144xf32, #tpu.memory_space<vmem>>) dst(%dma_wait3A_89 : memref<1x6144xf32, #tpu.memory_space<hbm>>)
      %dma_wait3A_90 = arith.constant 0 : i32
      %dma_wait3A_91 = tpu.memref_slice %arg6[%add3A_57, %dma_wait3A_90] : memref<128x6144xf32, #tpu.memory_space<hbm>> -> memref<1x6144xf32, #tpu.memory_space<hbm>>
      %dma_wait3A_92 = arith.constant 0 : i32
      %dma_wait3A_93 = tpu.memref_slice %arg6[%add3A_57, %dma_wait3A_92] : memref<128x6144xf32, #tpu.memory_space<hbm>> -> memref<1x6144xf32, #tpu.memory_space<hbm>>
      tpu.wait_dma2 semaphore(%arg9 : memref<!tpu.dma_semaphore, #tpu.memory_space<semaphore_mem>>) src(%arg8 : memref<1x6144xf32, #tpu.memory_space<vmem>>) dst(%dma_wait3A_93 : memref<1x6144xf32, #tpu.memory_space<hbm>>)
    } else {
    }
    return
  }
}

</mosaic_0001>

<sc_bundles>
// kernel: kernel.3.cloned.1.call-start
scs
__scs_entry_jumppad:
0x0: {  	(pc) =	sbr.rel $0x88, $3  }
0x1: {  	(tag) =	ssettag $0x0;
	lr =	simm.s32 $0x1  }
0x2: {  	[smem:$0x3F9C] =	sst lr;
	_ =	strace $0xD0000000  }
0x3: {  	_ = 	snop  }
0x4: {  	_ = 	snop  }
0x5: {  	_ = 	snop  }
0x6: {  	_ = 	snop  }
0x7: {  	_ = 	snop  }
__scs_overlays_trampoline_lowered:
0x8: {  	[smem:$0x3FAB] =	sst s0  }
0x9: {  	[smem:$0x3FAC] =	sst s1  }
0xa: {  	[smem:$0x3FAD] =	sst s2  }
0xb: {  	[smem:$0x3FAE] =	sst s3  }
0xc: {  	[smem:$0x3FAF] =	sst s4  }
0xd: {  	[smem:$0x3FB0] =	sst s5  }
0xe: {  	[smem:$0x3FB1] =	sst s6  }
0xf: {  	[smem:$0x3FB2] =	sst s7  }
0x10: {  	[smem:$0x3FB3] =	sst s8  }
0x11: {  	[smem:$0x3FB4] =	sst s9;
	s0 =	simm.s32 @!p0 $0x0  }
0x12: {  	s1 =	sld [smem:$0x3F9A];
	s0 =	simm.s32 @p0 $0x1  }
0x13: {  	[smem:$0x3FB5] =	sst s0;
	s0 =	simm.s32 @!p1 $0x0  }
0x14: {  	s2 =	sld [smem:$0x3F99];
	s0 =	simm.s32 @p1 $0x1  }
0x15: {  	[smem:$0x3FB6] =	sst s0;
	s0 =	simm.s32 @!p2 $0x0  }
0x16: {  	s3 =	sld [smem:$0x3FDB];
	s0 =	simm.s32 @p2 $0x1  }
0x17: {  	s4 =	simm.s32 $0x1BF5;
	[smem:$0x3FB8] =	sst s0  }
0x18: {  	s0 =	sld [smem:$0x3F9B];
	_ =	swait.ge [sflag:s4], $0x0  }
0x19: {  	s7 =	sld [smem:$0x3F9C]  }
0x1a: {  	s8 =	sadd.s32 $0xFFFFE003, lr  }
0x1b: {  	s9 =	sadd.s32 $0xFFFFFEF7, lr;
	s5 =	simm.s32 $0xFFFFFFFF;
	p2 =	slt.u32 s8, $0xFFFFF086  }
0x1c: {  	p1 =	slt.u32 s9, $0xF7A;
	s5 =	simm.s32 @!p2 $0x0  }
0x1d: {  	s5 =	simm.s32 @p1 $0x1;
	p0 =	seq.s32 s7, s2  }
0x1e: {  	s7 =	smul.u32 @!p0 $0xF7A, s2;
	p2 =	seq.s32 @!p0 s5, $0x0  }
0x1f: {  	s9 =	smul.u32 $0xF7A, s1;
	s8 =	simm.s32 @!p0 $0x1BF5;
	p2 =	por !p2, p0  }
0x20: {  	[sflag:s8] =	ssyncset.s32 @!p0 $0xFFFFF086;
	s6 =	sadd.s32 @!p0 s3, s7;
	s7 =	simm.s32 @!p0 $0x108  }
0x21: {  	s3 =	sadd.s32 s3, s9;
	s6 =	sadd.s32 @!p0 $0x88, s6;
	s7 =	simm.s32 @p2 $0x1082  }
0x22: {  	[simem:s7], [sflag:s8] =	dma.local @!p0 [hbm:s6], $0xF7A  }
0x23: {  	s9 =	sor.u32 $0xD0000000, s2;
	s6 =	simm.s32 $0x108;
	_ =	swait.ge @!p0 [sflag:s8], $0x0  }
0x24: {  	s3 =	sadd.s32 $0x88, s3;
	s6 =	simm.s32 @!p1 $0x1082;
	[sflag:s4] =	ssyncset.s32 $0xFFFFF086  }
0x25: {  	[simem:s6], [sflag:s4] =	dma.local [hbm:s3], $0xF7A  }
0x26: {  	[smem:$0x3F9C] =	sst s1;
	(tag) =	ssettag s2;
	_ =	strace s9  }
0x27: {  	s1 =	sld [smem:$0x3FAC]  }
0x28: {  	s2 =	sld [smem:$0x3FAD]  }
0x29: {  	s4 =	sld [smem:$0x3FAF]  }
0x2a: {  	p0 =	seq.s32 s5, $0x0;
	s5 =	sld [smem:$0x3FB0]  }
0x2b: {  	s6 =	sld [smem:$0x3FB1]  }
0x2c: {  	s7 =	sld [smem:$0x3FB2]  }
0x2d: {  	s3 =	simm.s32 $0x108;
	s8 =	sld [smem:$0x3FB3]  }
0x2e: {  	s3 =	simm.s32 @!p0 $0x1082;
	s9 =	sld [smem:$0x3FB4]  }
0x2f: {  	lr =	sadd.s32 s0, s3;
	s0 =	sld [smem:$0x3FAB]  }
0x30: {  	s3 =	sld [smem:$0x3FAE]  }
0x31: {  	[smem:$0x3FB7] =	sst s10  }
0x32: {  	s10 =	sld [smem:$0x3FB5];
	_ =	sdelay $0x3  }
0x33: {  	p0 =	seq.s32 s10, $0x1;
	s10 =	sld [smem:$0x3FB7];
	_ =	sdelay $0x3  }
0x34: {  	[smem:$0x3FB7] =	sst s10  }
0x35: {  	s10 =	sld [smem:$0x3FB6];
	_ =	sdelay $0x3  }
0x36: {  	p1 =	seq.s32 s10, $0x1;
	s10 =	sld [smem:$0x3FB7];
	_ =	sdelay $0x3  }
0x37: {  	[smem:$0x3FB7] =	sst s10  }
0x38: {  	s10 =	sld [smem:$0x3FB8]  }
0x39: {  	_ = 	snop;
	(pc) =	sbr.ind lr, $3  }
0x3a: {  	_ = 	snop  }
0x3b: {  	_ = 	snop  }
0x3c: {  	p2 =	seq.s32 s10, $0x1;
	s10 =	sld [smem:$0x3FB7]  }
0x3d: {  	_ =	shalt  }
0x3e: {  	_ =	shalt  }
0x3f: {  	_ =	shalt  }
0x40: {  	_ =	shalt  }
0x41: {  	_ =	shalt  }
0x42: {  	_ =	shalt  }
0x43: {  	_ =	shalt  }
0x44: {  	_ =	shalt  }
0x45: {  	_ =	shalt  }
0x46: {  	_ =	shalt  }
0x47: {  	_ =	shalt  }
0x48: {  	_ =	shalt  }
0x49: {  	_ =	shalt  }
0x4a: {  	_ =	shalt  }
0x4b: {  	_ =	shalt  }
0x4c: {  	_ =	shalt  }
0x4d: {  	_ =	shalt  }
0x4e: {  	_ =	shalt  }
0x4f: {  	_ =	shalt  }
0x50: {  	_ =	shalt  }
0x51: {  	_ =	shalt  }
0x52: {  	_ =	shalt  }
0x53: {  	_ =	shalt  }
0x54: {  	_ =	shalt  }
0x55: {  	_ =	shalt  }
0x56: {  	_ =	shalt  }
0x57: {  	_ =	shalt  }
0x58: {  	_ =	shalt  }
0x59: {  	_ =	shalt  }
0x5a: {  	_ =	shalt  }
0x5b: {  	_ =	shalt  }
0x5c: {  	_ =	shalt  }
0x5d: {  	_ =	shalt  }
0x5e: {  	_ =	shalt  }
0x5f: {  	_ =	shalt  }
0x60: {  	_ =	shalt  }
0x61: {  	_ =	shalt  }
0x62: {  	_ =	shalt  }
0x63: {  	_ =	shalt  }
0x64: {  	_ =	shalt  }
0x65: {  	_ =	shalt  }
0x66: {  	_ =	shalt  }
0x67: {  	_ =	shalt  }
0x68: {  	_ =	shalt  }
0x69: {  	_ =	shalt  }
0x6a: {  	_ =	shalt  }
0x6b: {  	_ =	shalt  }
0x6c: {  	_ =	shalt  }
0x6d: {  	_ =	shalt  }
0x6e: {  	_ =	shalt  }
0x6f: {  	_ =	shalt  }
0x70: {  	_ =	shalt  }
0x71: {  	_ =	shalt  }
0x72: {  	_ =	shalt  }
0x73: {  	_ =	shalt  }
0x74: {  	_ =	shalt  }
0x75: {  	_ =	shalt  }
0x76: {  	_ =	shalt  }
0x77: {  	_ =	shalt  }
0x78: {  	_ =	shalt  }
0x79: {  	_ =	shalt  }
0x7a: {  	_ =	shalt  }
0x7b: {  	_ =	shalt  }
0x7c: {  	_ =	shalt  }
0x7d: {  	_ =	shalt  }
0x7e: {  	_ =	shalt  }
0x7f: {  	_ =	shalt  }
0x80: {  	_ =	shalt  }
0x81: {  	_ =	shalt  }
0x82: {  	_ =	shalt  }
0x83: {  	_ =	shalt  }
0x84: {  	_ =	shalt  }
0x85: {  	_ =	shalt  }
0x86: {  	_ =	shalt  }
0x87: {  	_ =	shalt  }
.Lfunc_end0:
.L_simem_size_0:
called_computation_lowered:
.L_overlay_start_0:
0x88: {  	s2 =	sld [smem:$0x3FD9]  }
0x89: {  	s3 =	sld [smem:$0x3FFE];
	_ =	sdelay $0x1  }
0x8a: {  	s1 =	srdreg.scid  }
0x8b: {  	s0 =	sand.u32 $0x1, s1  }
0x8c: {  	s14 =	sshll.u32 s0, $0xA;
	s2 =	sadd.s32 s3, s2  }
0x8d: {  	s2 =	sadd.s32 s2, s14  }
0x8e: {  	[smem:$0x3FC3] =	sst s2  }
0x8f: {  	_ = 	snop  }
0x90: {  	s2 =	sld [smem:$0x3FD0];
	_ =	sdelay $0x2  }
0x91: {  	s4 =	simm.s32 $0xA;
	s5 =	simm.s32 $0x10;
	s15 =	sld [smem:$0x3FC8]  }
0x92: {  	[smem:s5], [sflag:s4] =	dma.local [hbm:s2], $0x1  }
0x93: {  	_ =	swait.eq [sflag:s4], $0x1  }
0x94: {  	[sflag:s4] =	ssyncset.done $0x0  }
0x95: {  	s16 =	sld [smem:$0x10];
	[sflag:s4] =	ssyncadd.s32 $0xFFFFFFFF  }
0x96: {  	s17 =	sld [smem:$0x11];
	(tm) =	ssettm $0x1  }
0x97: {  	s18 =	sld [smem:$0x3FFB];
	_ =	sdelay $0x3  }
0x98: {  	_ =	strace s18  }
0x99: {  	s5 =	sld [smem:$0x3FFC];
	_ =	sdelay $0x3  }
0x9a: {  	_ =	strace s5  }
0x9b: {  	s5 =	sld [smem:$0x3FFD];
	_ =	sdelay $0x3  }
0x9c: {  	_ =	strace s5  }
0x9d: {  	_ =	strace $0x8FFFFFFF  }
0x9e: {  	s19 =	sld [smem:$0x3FDB];
	_ =	sdelay $0x1  }
0x9f: {  	s6 =	simm.s32 $_scs_section_size  }
0xa0: {  	s7 =	simm.s32 $_size__tile_overlayer_lowered;
	s8 =	simm.s32 $_tile_overlayer_lowered  }
0xa1: {  	s22 =	simm.s32 $0x1BFF;
	s21 =	sshll.u32 s8, $0x1;
	s5 =	sadd.s32 s6, s19  }
0xa2: {  	s9 =	simm.s32 $0x0;
	s20 =	sshll.u32 s7, $0x1;
	s7 =	sadd.s32 s21, s5  }
0xa3: {  	[timem:s9], [sflag:s22] =	dma.local [hbm:s7], s20  }
0xa4: {  	_ =	swait.ge [sflag:s22], s20  }
0xa5: {  	s6 =	ssub.s32 $0x0, s20;
	[sflag:s22] =	ssyncset.done $0x0  }
0xa6: {  	[sflag:s22] =	ssyncadd.s32 s6;
	_ =	sdelay $0x1  }
0xa7: {  	s23 =	simm.s32 $0x1B8B  }
0xa8: {  	_ =	swait.ge [sflag:s23], $0x1  }
0xa9: {  	[sflag:s23] =	ssyncset.done $0x0  }
0xaa: {  	s25 =	simm.s32 $0x1B8E;
	s24 =	sld [smem:$0x3FFE];
	[sflag:s23] =	ssyncadd.s32 $0xFFFFFFFF  }
0xab: {  	s26 =	simm.s32 $execute0_lowered;
	[smem:$0x3FD2] =	sst s25  }
0xac: {  	s7 =	sshll.u32 s26, $0x1;
	_ =	strace $0x80000046;
	[dreg:$0x1] =	wrdreg $0xFFFFFFFF  }
0xad: {  	s28 =	simm.s32 $_size_execute0_lowered;
	s5 =	sadd.s32 s5, s7;
	[dreg:$0x0] =	wrdreg $0x0  }
0xae: {  	s7 =	sshll.u32 s28, $0x1;
	[dreg:$0x2] =	wrdreg s5  }
0xaf: {  	[dreg:$0x3] =	wrdreg s7  }
0xb0: {  	[dreg:$0x4] =	wrdreg $0xC0  }
0xb1: {  	_ =	task [dreg:s9], $0x5FFFF  }
0xb2: {  	[dreg:$0x1] =	wrdreg $0xFFFFFFFF  }
0xb3: {  	[dreg:$0x0] =	wrdreg $0x60  }
0xb4: {  	[dreg:$0x2] =	wrdreg s16  }
0xb5: {  	[dreg:$0x3] =	wrdreg s24  }
0xb6: {  	[dreg:$0x4] =	wrdreg s15  }
0xb7: {  	[dreg:$0x5] =	wrdreg s17  }
0xb8: {  	[dreg:$0x6] =	wrdreg $0x9  }
0xb9: {  	_ =	task.clear_ibuf [dreg:s9], $0x7FFFF;
	_ =	strace $0x90000046  }
0xba: {  	s29 =	simm.s32 $0x9;
	_ =	strace $0x80000048  }
0xbb: {  	_ =	swait.ge [sflag:s29], $0x1  }
0xbc: {  	[sflag:s29] =	ssyncadd.s32 $0xFFFFFFFF  }
0xbd: {  	_ =	strace $0x90000048  }
0xbe: {  	_ =	sfence  }
0xbf: {  	s30 =	sld [smem:$0x0];
	_ =	sdelay $0x2  }
0xc0: {  	s31 =	sshll.u32 s1, $0xD;
	s1 =	sshrl.u32 s1, $0x2  }
0xc1: {  	s3 =	sand.u32 $0x4000, s31;
	s1 =	sadd.s32 s1, s30  }
0xc2: {  	s0 =	sor.u32 s3, s0;
	s1 =	sshll.u32 s1, $0x11  }
0xc3: {  	s0 =	sor.u32 s1, s0  }
0xc4: {  	s0 =	sadd.s32 $0x8F2B, s0  }
0xc5: {  	[sflag:s0] =	ssyncadd.remote.s32 $0x1  }
0xc6: {  	_ =	sfence.sel $0xFFFF  }
0xc7: {  	[dreg:$0x0] =	wrdreg $0xFFFFFFFF;
	(pc) =	sbr.abs _section_cstart, $3  }
0xc8: {  	[dreg:$0x1] =	wrdreg $0xFFFFFFFF  }
0xc9: {  	_ =	task.clear_ibuf [dreg:s9], $0x2FFFF;
	_ =	strace $0x9FFFFFFF  }
0xca: {  	(tm) =	ssettm $0x7FFFFFFF  }
0xcb: {  	_ =	shalt  }
tec
execute0_lowered:
.L_overlay_start_1:
0x0: {  	(tag) =	ssettag $0x1  }
0x1: {  	s6 =	rddreg [dreg:$0x0]  }
0x2: {  	s7 =	rddreg [dreg:$0x1]  }
0x3: {  	s1 =	rddreg [dreg:$0x2]  }
0x4: {  	s13 =	rddreg [dreg:$0x3];
	s2 =	simm.s32 $0x0  }
0x5: {  	[smem:$0x7FF] =	sst s2  }
0x6: {  	s0 =	rddreg [dreg:$0x4];
	s3 =	simm.s32 $0x2;
	_ =	strace $0x80000047  }
0x7: {  	[tilespmem:s2], [sflag:$0x2] =	stream.linear.gather [hbm4b:s1+s2], $0x80, $0x38;
	[tilespmem:$0x1880] =	vst v63  }
0x8: {  	_ =	swait.ge [sflag:s3], $0x80  }
0x9: {  	[sflag:s3] =	ssyncset.done $0x0  }
0xa: {  	[sflag:s3] =	ssyncadd.s32 $0xFFFFFF80  }
0xb: {  	v0 =	vld.msk [tilespmem:$0x0], $0x1;
	_ =	sdelay $0x4  }
0xc: {  	v1 =	vshrl.u32 v0, $0x3  }
0xd: {  	v1 =	vmul.u32 $0x180, v1  }
0xe: {  	v2 =	vand.u32 $0x7, v0  }
0xf: {  	v3 =	vlaneseq.u32;
	v0 =	vimm.s32 $0x0;
	v2 =	vor.u32 v2, v1  }
0x10: {  	v1 =	vmul.u32 $0x8, v3;
	v2 =	vperm.xlane v2, v0;
	_ =	sdelay $0x1  }
0x11: {  	v2 =	vadd.s32 v1, v2  }
0x12: {  	s5 =	srdreg.scid;
	s4 =	stileid.u32  }
0x13: {  	s21 =	sand.u32 $0x1, s5;
	s8 =	sshll.u32 s4, $0x1  }
0x14: {  	s5 =	sadd.s32 $0x800, s7;
	p0 =	slt.u32 s4, $0x8;
	s8 =	sor.u32 s21, s8  }
0x15: {  	vm0 =	vmmov $0xffff;
	s5 =	smov.u32 @p0 s6;
	s6 =	simm.s32 $0x80;
	s14 =	smul.u32 $0x1800, s8  }
0x16: {  	[tilespmem:s6], [sflag:$0x1] =	stream.indirect_vreg.gather [hbm4b:s5+s2], $0x80, v2, vm0, $0xb8;
	[tilespmem:$0x1880] =	vst v63  }
0x17: {  	s8 =	simm.s32 $0x880;
	s20 =	sadd.s32 s7, s14;
	s7 =	sadd.s32 $0x800, s5  }
0x18: {  	[tilespmem:s8], [sflag:$0x1] =	stream.indirect_vreg.gather [hbm4b:s7+s2], $0x80, v2, vm0, $0xb8;
	[tilespmem:$0x1880] =	vst v63  }
0x19: {  	s11 =	simm.s32 $0x1080;
	s10 =	simm.s32 $0x1;
	s9 =	sadd.s32 $0x1000, s5  }
0x1a: {  	[tilespmem:s11], [sflag:$0x1] =	stream.indirect_vreg.gather [hbm4b:s9+s2], $0x80, v2, vm0, $0xb8;
	[tilespmem:$0x1880] =	vst v63  }
0x1b: {  	s22 =	sadd.s32 s13, s14;
	s14 =	simm.s32 $0x400;
	_ =	swait.ge [sflag:s10], $0x1800  }
0x1c: {  	s12 =	sadd.s32 $0xFFFEA000, s20;
	s13 =	sadd.s32 $0xFFFEA010, s20;
	[sflag:s10] =	ssyncset.done $0x0  }
0x1d: {  	s16 =	sadd.s32 $0x10, s22;
	s12 =	smov.u32 @p0 s22;
	[sflag:s10] =	ssyncadd.s32 $0xFFFFE800  }
0x1e: {  	[hbm4b:s12+s6] =	stream.strided.scatter [tilespmem:s6], [sflag:$0x1], $0x1800, s14, s6, $0x38;
	[tilespmem:$0x1880] =	vst v63  }
0x1f: {  	s15 =	sadd.s32 $0xFFFEA020, s20;
	s17 =	sadd.s32 $0x20, s22;
	s13 =	smov.u32 @p0 s16  }
0x20: {  	[hbm4b:s13+s6] =	stream.strided.scatter [tilespmem:s6], [sflag:$0x1], $0x1800, s14, s6, $0x38;
	[tilespmem:$0x1880] =	vst v63  }
0x21: {  	s18 =	sadd.s32 $0x30, s22;
	s16 =	sadd.s32 $0xFFFEA030, s20;
	s15 =	smov.u32 @p0 s17  }
0x22: {  	[hbm4b:s15+s6] =	stream.strided.scatter [tilespmem:s6], [sflag:$0x1], $0x1800, s14, s6, $0x38;
	[tilespmem:$0x1880] =	vst v63  }
0x23: {  	s19 =	sadd.s32 $0x40, s22;
	s17 =	sadd.s32 $0xFFFEA040, s20;
	s16 =	smov.u32 @p0 s18  }
0x24: {  	[hbm4b:s16+s6] =	stream.strided.scatter [tilespmem:s6], [sflag:$0x1], $0x1800, s14, s6, $0x38;
	[tilespmem:$0x1880] =	vst v63  }
0x25: {  	s23 =	sadd.s32 $0x50, s22;
	s18 =	sadd.s32 $0xFFFEA050, s20;
	s17 =	smov.u32 @p0 s19  }
0x26: {  	[hbm4b:s17+s6] =	stream.strided.scatter [tilespmem:s6], [sflag:$0x1], $0x1800, s14, s6, $0x38;
	[tilespmem:$0x1880] =	vst v63  }
0x27: {  	s19 =	sadd.s32 $0xFFFEA060, s20;
	s18 =	smov.u32 @p0 s23;
	s23 =	sadd.s32 $0x60, s22  }
0x28: {  	[hbm4b:s18+s6] =	stream.strided.scatter [tilespmem:s6], [sflag:$0x1], $0x1800, s14, s6, $0x38;
	[tilespmem:$0x1880] =	vst v63  }
0x29: {  	s20 =	sadd.s32 $0xFFFEA070, s20;
	s22 =	sadd.s32 $0x70, s22;
	s19 =	smov.u32 @p0 s23  }
0x2a: {  	[hbm4b:s19+s6] =	stream.strided.scatter [tilespmem:s6], [sflag:$0x1], $0x1800, s14, s6, $0x38;
	[tilespmem:$0x1880] =	vst v63  }
0x2b: {  	s20 =	smov.u32 @p0 s22  }
0x2c: {  	[hbm4b:s20+s6] =	stream.strided.scatter [tilespmem:s6], [sflag:$0x1], $0x1800, s14, s6, $0x38;
	[tilespmem:$0x1880] =	vst v63  }
0x2d: {  	_ =	swait.ge [sflag:s10], $0x1800  }
0x2e: {  	[sflag:s10] =	ssyncset.done $0x0  }
0x2f: {  	[sflag:s10] =	ssyncadd.s32 $0xFFFFE800  }
0x30: {  	_ =	swait.ge [sflag:s10], $0x1800  }
0x31: {  	[sflag:s10] =	ssyncset.done $0x0  }
0x32: {  	[sflag:s10] =	ssyncadd.s32 $0xFFFFE800  }
0x33: {  	_ =	swait.ge [sflag:s10], $0x1800  }
0x34: {  	[sflag:s10] =	ssyncset.done $0x0  }
0x35: {  	[sflag:s10] =	ssyncadd.s32 $0xFFFFE800  }
0x36: {  	_ =	swait.ge [sflag:s10], $0x1800  }
0x37: {  	[sflag:s10] =	ssyncset.done $0x0  }
0x38: {  	[sflag:s10] =	ssyncadd.s32 $0xFFFFE800  }
0x39: {  	_ =	swait.ge [sflag:s10], $0x1800  }
0x3a: {  	s21 =	ssub.s32 $0x2, s21;
	[sflag:s10] =	ssyncset.done $0x0  }
0x3b: {  	s31 =	sshrl.u32 s21, $0x1;
	[sflag:s10] =	ssyncadd.s32 $0xFFFFE800  }
0x3c: {  	s21 =	ssub.s32 s21, s31;
	_ =	swait.ge [sflag:s10], $0x1800  }
0x3d: {  	s21 =	smax.u32 s21, $0x1;
	[sflag:s10] =	ssyncset.done $0x0  }
0x3e: {  	p0 =	sne.s32 s21, $0x1;
	[sflag:s10] =	ssyncadd.s32 $0xFFFFE800  }
.Ltmp0:
0x3f: {  	_ =	swait.ge [sflag:s10], $0x1800;
	(pc) =	sbr.rel @!p0 .LBB2_2-.Ltmp0, $4  }
0x40: {  	[sflag:s10] =	ssyncset.done $0x0  }
0x41: {  	[sflag:s10] =	ssyncadd.s32 $0xFFFFE800  }
0x42: {  	_ =	swait.ge [sflag:s10], $0x1800  }
0x43: {  	s21 =	sadd.s32 $0xFFFFFFFF, s21;
	[sflag:s10] =	ssyncset.done $0x0  }
.LBB2_1:
0x44: {  	p0 =	sne.s32 s21, $0x1;
	s21 =	sadd.s32 $0xFFFFFFFF, s21;
	[sflag:s10] =	ssyncadd.s32 $0xFFFFE800  }
0x45: {  	[tilespmem:s2], [sflag:$0x2] =	stream.linear.gather [hbm4b:s1+s2], $0x80, $0x38;
	[tilespmem:$0x1880] =	vst v63  }
0x46: {  	_ =	swait.ge [sflag:s3], $0x80  }
0x47: {  	[sflag:s3] =	ssyncset.done $0x0  }
0x48: {  	[sflag:s3] =	ssyncadd.s32 $0xFFFFFF80  }
0x49: {  	v2 =	vld.msk [tilespmem:$0x0], $0x1;
	_ =	sdelay $0x4  }
0x4a: {  	v3 =	vshrl.u32 v2, $0x3  }
0x4b: {  	v3 =	vmul.u32 $0x180, v3  }
0x4c: {  	v2 =	vand.u32 $0x7, v2  }
0x4d: {  	v2 =	vor.u32 v2, v3  }
0x4e: {  	v2 =	vperm.xlane v2, v0;
	_ =	sdelay $0x1  }
0x4f: {  	v2 =	vadd.s32 v1, v2;
	_ =	sdelay $0x4  }
0x50: {  	[tilespmem:s6], [sflag:$0x1] =	stream.indirect_vreg.gather [hbm4b:s5+s2], $0x80, v2, vm0, $0xb8;
	[tilespmem:$0x1880] =	vst v63  }
0x51: {  	_ = 	snop  }
0x52: {  	[tilespmem:s8], [sflag:$0x1] =	stream.indirect_vreg.gather [hbm4b:s7+s2], $0x80, v2, vm0, $0xb8;
	[tilespmem:$0x1880] =	vst v63  }
0x53: {  	_ = 	snop  }
0x54: {  	[tilespmem:s11], [sflag:$0x1] =	stream.indirect_vreg.gather [hbm4b:s9+s2], $0x80, v2, vm0, $0xb8;
	[tilespmem:$0x1880] =	vst v63  }
0x55: {  	_ =	swait.ge [sflag:s10], $0x1800  }
0x56: {  	[sflag:s10] =	ssyncset.done $0x0  }
0x57: {  	[sflag:s10] =	ssyncadd.s32 $0xFFFFE800  }
0x58: {  	[hbm4b:s12+s6] =	stream.strided.scatter [tilespmem:s6], [sflag:$0x1], $0x1800, s14, s6, $0x38;
	[tilespmem:$0x1880] =	vst v63  }
0x59: {  	_ = 	snop  }
0x5a: {  	[hbm4b:s13+s6] =	stream.strided.scatter [tilespmem:s6], [sflag:$0x1], $0x1800, s14, s6, $0x38;
	[tilespmem:$0x1880] =	vst v63  }
0x5b: {  	_ = 	snop  }
0x5c: {  	[hbm4b:s15+s6] =	stream.strided.scatter [tilespmem:s6], [sflag:$0x1], $0x1800, s14, s6, $0x38;
	[tilespmem:$0x1880] =	vst v63  }
0x5d: {  	_ = 	snop  }
0x5e: {  	[hbm4b:s16+s6] =	stream.strided.scatter [tilespmem:s6], [sflag:$0x1], $0x1800, s14, s6, $0x38;
	[tilespmem:$0x1880] =	vst v63  }
0x5f: {  	_ = 	snop  }
0x60: {  	[hbm4b:s17+s6] =	stream.strided.scatter [tilespmem:s6], [sflag:$0x1], $0x1800, s14, s6, $0x38;
	[tilespmem:$0x1880] =	vst v63  }
0x61: {  	_ = 	snop  }
0x62: {  	[hbm4b:s18+s6] =	stream.strided.scatter [tilespmem:s6], [sflag:$0x1], $0x1800, s14, s6, $0x38;
	[tilespmem:$0x1880] =	vst v63  }
0x63: {  	_ = 	snop  }
0x64: {  	[hbm4b:s19+s6] =	stream.strided.scatter [tilespmem:s6], [sflag:$0x1], $0x1800, s14, s6, $0x38;
	[tilespmem:$0x1880] =	vst v63  }
0x65: {  	_ = 	snop  }
0x66: {  	[hbm4b:s20+s6] =	stream.strided.scatter [tilespmem:s6], [sflag:$0x1], $0x1800, s14, s6, $0x38;
	[tilespmem:$0x1880] =	vst v63  }
0x67: {  	_ =	swait.ge [sflag:s10], $0x1800  }
0x68: {  	[sflag:s10] =	ssyncset.done $0x0  }
0x69: {  	[sflag:s10] =	ssyncadd.s32 $0xFFFFE800  }
0x6a: {  	_ =	swait.ge [sflag:s10], $0x1800  }
0x6b: {  	[sflag:s10] =	ssyncset.done $0x0  }
0x6c: {  	[sflag:s10] =	ssyncadd.s32 $0xFFFFE800  }
0x6d: {  	_ =	swait.ge [sflag:s10], $0x1800  }
0x6e: {  	[sflag:s10] =	ssyncset.done $0x0  }
0x6f: {  	[sflag:s10] =	ssyncadd.s32 $0xFFFFE800  }
0x70: {  	_ =	swait.ge [sflag:s10], $0x1800  }
0x71: {  	[sflag:s10] =	ssyncset.done $0x0  }
0x72: {  	[sflag:s10] =	ssyncadd.s32 $0xFFFFE800  }
0x73: {  	_ =	swait.ge [sflag:s10], $0x1800  }
0x74: {  	[sflag:s10] =	ssyncset.done $0x0  }
0x75: {  	[sflag:s10] =	ssyncadd.s32 $0xFFFFE800  }
0x76: {  	_ =	swait.ge [sflag:s10], $0x1800  }
0x77: {  	[sflag:s10] =	ssyncset.done $0x0  }
0x78: {  	[sflag:s10] =	ssyncadd.s32 $0xFFFFE800  }
.Ltmp1:
0x79: {  	_ =	swait.ge [sflag:s10], $0x1800;
	(pc) =	sbr.rel @p0 .LBB2_1-.Ltmp1, $4  }
0x7a: {  	[sflag:s10] =	ssyncset.done $0x0  }
0x7b: {  	[sflag:s10] =	ssyncadd.s32 $0xFFFFE800  }
0x7c: {  	_ =	swait.ge [sflag:s10], $0x1800  }
0x7d: {  	[sflag:s10] =	ssyncset.done $0x0  }
.LBB2_2:
0x7e: {  	[sflag:s10] =	ssyncadd.s32 $0xFFFFE800  }
0x7f: {  	_ =	sfence.sel $0x180000  }
0x80: {  	[bflag:$0x0] =	sbarrier.arrive $0xFFFF  }
0x81: {  	p0 =	sne.s32 s4, $0x0;
	_ =	strace $0x90000047  }
0x82: {  	s0 =	sadd.s32 @!p0 $0x100000, s0;
	[bflag:$0x2] =	sbarrier.arrive $0xFFFF  }
0x83: {  	[sflag:s0] =	ssyncadd.tile.s32 @!p0 $0x1;
	_ =	shalt  }
.Lfunc_end2:
_tile_overlayer_lowered:
.L_overlay_start_2:
0x84: {  	(tag) =	ssettag $0x2  }
0x85: {  	s0 =	rddreg [dreg:$0x0];
	s2 =	stileid.u32  }
0x86: {  	s1 =	rddreg [dreg:$0x1];
	p0 =	sne.s32 s2, $0x0  }
0x87: {  	s3 =	rddreg [dreg:$0x2];
	[bflag:$0x3] =	sbarrier.arrive $0xFFFF;
	s2 =	simm.s32 @!p0 $0x1C02  }
0x88: {  	[timem:s3], [sflag:s2] =	dma.local @!p0 [hbm:s0], s1  }
0x89: {  	s0 =	simm.s32 @!p0 $0x2  }
0x8a: {  	_ =	swait.ge @!p0 [sflag:s0], s1  }
0x8b: {  	s1 =	ssub.s32 @!p0 $0x0, s1;
	[sflag:s0] =	ssyncset.done @!p0 $0x0  }
0x8c: {  	[sflag:s0] =	ssyncadd.s32 @!p0 s1  }
0x8d: {  	[bflag:$0x3] =	sbarrier.arrive $0xFFFF  }
0x8e: {  	_ =	shalt  }

</sc_bundles>
